<compile_context>
chip_gen: v7x
topology: tpu7x:2x2x1
jax: 0.10.2.dev20260603
libtpu: 0.0.44.dev20260713+nightly
codegen_flags: <defaults>
</compile_context>

<pallas_src>
import functools

import jax
import jax.numpy as jnp
from jax import lax
from jax.experimental import pallas as pl
from jax.experimental.pallas import tpu as pltpu
from jax.experimental.pallas import tpu_sc as plsc

_R = float(1.25**2)
_ROWS, _COLS = 4096, 512
_NC, _NS, _L = 2, 16, 16
_NW = _NC * _NS

_S = 1024
_SROWS_W = _S // _NW
_NACC = 4

_TROWS = _ROWS - _S
_BROWS = 512
_GRID = _TROWS // _BROWS

_mesh = plsc.VectorSubcoreMesh(core_axis_name="c", subcore_axis_name="s")


@functools.partial(
    pl.kernel,
    out_type=jax.ShapeDtypeStruct((2, _NW * _L), jnp.float32),
    mesh=_mesh,
    scratch_types=[
        pltpu.VMEM((_SROWS_W, _COLS), jnp.float32),
        pltpu.VMEM((_SROWS_W, _COLS), jnp.float32),
        pltpu.VMEM((_L,), jnp.float32),
        pltpu.VMEM((_L,), jnp.float32),
        pltpu.SemaphoreType.DMA,
    ],
)
def _sc_count(pred_hbm, targ_hbm, out_hbm, pbuf, tbuf, gbuf, nbuf, sem):
    c = lax.axis_index("c")
    s = lax.axis_index("s")
    wid = s * _NC + c
    row0 = wid * _SROWS_W

    cp = pltpu.async_copy(pred_hbm.at[pl.ds(row0, _SROWS_W), :], pbuf, sem)
    ct = pltpu.async_copy(targ_hbm.at[pl.ds(row0, _SROWS_W), :], tbuf, sem)
    cp.wait()
    ct.wait()

    zero = jnp.zeros((_L,), jnp.float32)
    one = jnp.full((_L,), 1.0, jnp.float32)
    accs = (zero,) * (2 * _NACC)
    n_el = _SROWS_W * _COLS

    @plsc.parallel_loop(0, n_el, _NACC * _L, unroll=2, carry=accs)
    def accs(i, acc):
        row = i // _COLS
        col = i % _COLS
        out = list(acc)
        for j in range(_NACC):
            p = pbuf[row, pl.ds(col + j * _L, _L)]
            t = tbuf[row, pl.ds(col + j * _L, _L)]
            good = (p < _R * t) & (t < _R * p)
            out[j] = acc[j] + jnp.where(good, one, zero)
            out[_NACC + j] = acc[_NACC + j] + jnp.where(t > 0.0, one, zero)
        return tuple(out)

    acc_g = accs[0]
    acc_n = accs[_NACC]
    for j in range(1, _NACC):
        acc_g = acc_g + accs[j]
        acc_n = acc_n + accs[_NACC + j]

    gbuf[...] = acc_g
    nbuf[...] = acc_n
    pltpu.sync_copy(gbuf, out_hbm.at[0, pl.ds(wid * _L, _L)])
    pltpu.sync_copy(nbuf, out_hbm.at[1, pl.ds(wid * _L, _L)])


def _tc_body(p_ref, t_ref, out_ref):
    @pl.when(pl.program_id(0) == 0)
    def _():
        out_ref[0] = 0.0
        out_ref[1] = 0.0

    p = p_ref[...]
    t = t_ref[...]
    good = (p < _R * t) & (t < _R * p)
    out_ref[0] += jnp.sum(good.astype(jnp.float32))
    out_ref[1] += jnp.sum((t > 0.0).astype(jnp.float32))


_tc_count = pl.pallas_call(
    _tc_body,
    grid=(_GRID,),
    in_specs=[
        pl.BlockSpec((_BROWS, _COLS), lambda i: (i + _S // _BROWS, 0)),
        pl.BlockSpec((_BROWS, _COLS), lambda i: (i + _S // _BROWS, 0)),
    ],
    out_specs=pl.BlockSpec(memory_space=pltpu.SMEM),
    out_shape=jax.ShapeDtypeStruct((2,), jnp.float32),
    compiler_params=pltpu.CompilerParams(
        dimension_semantics=("arbitrary",),
    ),
)


def kernel(pred, target):
    p = pred.reshape(_ROWS, _COLS)
    t = target.reshape(_ROWS, _COLS)
    sc_parts = _sc_count(p, t)
    tc_counts = _tc_count(p, t)
    good = sc_parts[0].sum() + tc_counts[0]
    npix = sc_parts[1].sum() + tc_counts[1]
    return good / npix

# --- scband reference (transcript-rebuilt; emitter-appended) ---
"""Pipeline reference for scband-a2-34291018891430 (READ-ONLY COPY).

The authoritative reference and input builder live on the scoring server;
editing this copy changes nothing except your own understanding.
"""

import jax, jax.numpy as jnp
import numpy as np


def setup_inputs(seed: int = 0) -> dict:
    key = jax.random.key(seed)
    k1, k2 = jax.random.split(key)
    pred = jax.random.uniform(k1, (8, 1, 512, 512), dtype=jnp.float32)
    target = jax.random.uniform(k2, (8, 1, 512, 512), dtype=jnp.float32)
    return {"pred": pred, "target": target}


def reference(pred, target):
    # val_pixels = target > 0; num_pixels guaranteed >= 10 for these inputs,
    # so the early-return -1 branch of the original module is never taken.
    mask = target > 0
    safe_t = jnp.where(mask, target, 1.0)
    safe_p = jnp.where(mask, pred, 1.0)
    thresh = jnp.maximum(safe_p / safe_t, safe_t / safe_p)
    good = jnp.where(mask, (thresh < 1.25 ** 2).astype(jnp.float32), 0.0)
    num_pixels = mask.sum().astype(jnp.float32)
    return good.sum() / num_pixels

if __name__ == "__main__":
    import jax
    _d = setup_inputs()
    print(jax.jit(kernel)(*tuple(_d.values())))

</pallas_src>

<mosaic_0001>
#map = affine_map<(d0, d1) -> (0, 0)>
module attributes {stable_mosaic.version = 14 : i64} {
  func.func @_sc_count(%arg0: i32, %arg1: i32, %arg2: memref<4096x512xf32, #tpu.memory_space<hbm>>, %arg3: memref<4096x512xf32, #tpu.memory_space<hbm>>, %arg4: memref<2x512xf32, #tpu.memory_space<hbm>>, %arg5: memref<32x512xf32, #tpu.memory_space<vmem>>, %arg6: memref<32x512xf32, #tpu.memory_space<vmem>>, %arg7: memref<16xf32, #tpu.memory_space<vmem>>, %arg8: memref<16xf32, #tpu.memory_space<vmem>>, %arg9: memref<!tpu.dma_semaphore, #tpu.memory_space<semaphore_mem>>) attributes {dimension_semantics = [#tpu.dimension_semantics<core_parallel>, #tpu.dimension_semantics<subcore_parallel>], iteration_bounds = array<i64: 2, 16>, scalar_prefetch = 0 : i64, scratch_operands = 5 : i64, tpu.core_type = #tpu.core_type<sc_vector_subcore>, window_params = [{transform_indices = #map}, {transform_indices = #map}, {transform_indices = #map}]} {
    %mul3A = arith.constant 2 : i32
    %mul3A_0 = arith.muli %arg1, %mul3A : i32
    %add3A = arith.addi %mul3A_0, %arg0 : i32
    %mul3A_1 = arith.constant 32 : i32
    %mul3A_2 = arith.muli %add3A, %mul3A_1 : i32
    %dma_start3A = arith.constant 0 : i32
    %dma_start3A_3 = tpu.memref_slice %arg2[%mul3A_2, %dma_start3A] : memref<4096x512xf32, #tpu.memory_space<hbm>> -> memref<32x512xf32, #tpu.memory_space<hbm>>
    %dma_start3A_4 = arith.constant 0 : i32
    %dma_start3A_5 = tpu.memref_slice %arg2[%mul3A_2, %dma_start3A_4] : memref<4096x512xf32, #tpu.memory_space<hbm>> -> memref<32x512xf32, #tpu.memory_space<hbm>>
    tpu.enqueue_dma source(%dma_start3A_5 : memref<32x512xf32, #tpu.memory_space<hbm>>) target(%arg5 : memref<32x512xf32, #tpu.memory_space<vmem>>) target_semaphore(%arg9 : memref<!tpu.dma_semaphore, #tpu.memory_space<semaphore_mem>>)
    %dma_start3A_6 = arith.constant 0 : i32
    %dma_start3A_7 = tpu.memref_slice %arg3[%mul3A_2, %dma_start3A_6] : memref<4096x512xf32, #tpu.memory_space<hbm>> -> memref<32x512xf32, #tpu.memory_space<hbm>>
    %dma_start3A_8 = arith.constant 0 : i32
    %dma_start3A_9 = tpu.memref_slice %arg3[%mul3A_2, %dma_start3A_8] : memref<4096x512xf32, #tpu.memory_space<hbm>> -> memref<32x512xf32, #tpu.memory_space<hbm>>
    tpu.enqueue_dma source(%dma_start3A_9 : memref<32x512xf32, #tpu.memory_space<hbm>>) target(%arg6 : memref<32x512xf32, #tpu.memory_space<vmem>>) target_semaphore(%arg9 : memref<!tpu.dma_semaphore, #tpu.memory_space<semaphore_mem>>)
    %dma_wait3A = arith.constant 0 : i32
    %dma_wait3A_10 = tpu.memref_slice %arg2[%mul3A_2, %dma_wait3A] : memref<4096x512xf32, #tpu.memory_space<hbm>> -> memref<32x512xf32, #tpu.memory_space<hbm>>
    %dma_wait3A_11 = arith.constant 0 : i32
    %dma_wait3A_12 = tpu.memref_slice %arg2[%mul3A_2, %dma_wait3A_11] : memref<4096x512xf32, #tpu.memory_space<hbm>> -> memref<32x512xf32, #tpu.memory_space<hbm>>
    tpu.wait_dma2 semaphore(%arg9 : memref<!tpu.dma_semaphore, #tpu.memory_space<semaphore_mem>>) src(%dma_wait3A_12 : memref<32x512xf32, #tpu.memory_space<hbm>>) dst(%arg5 : memref<32x512xf32, #tpu.memory_space<vmem>>)
    %dma_wait3A_13 = arith.constant 0 : i32
    %dma_wait3A_14 = tpu.memref_slice %arg3[%mul3A_2, %dma_wait3A_13] : memref<4096x512xf32, #tpu.memory_space<hbm>> -> memref<32x512xf32, #tpu.memory_space<hbm>>
    %dma_wait3A_15 = arith.constant 0 : i32
    %dma_wait3A_16 = tpu.memref_slice %arg3[%mul3A_2, %dma_wait3A_15] : memref<4096x512xf32, #tpu.memory_space<hbm>> -> memref<32x512xf32, #tpu.memory_space<hbm>>
    tpu.wait_dma2 semaphore(%arg9 : memref<!tpu.dma_semaphore, #tpu.memory_space<semaphore_mem>>) src(%dma_wait3A_16 : memref<32x512xf32, #tpu.memory_space<hbm>>) dst(%arg6 : memref<32x512xf32, #tpu.memory_space<vmem>>)
    %broadcast_in_dim3A = arith.constant 0.000000e+00 : f32
    %broadcast_in_dim3A_17 = vector.broadcast %broadcast_in_dim3A : f32 to vector<16xf32>
    %broadcast_in_dim3A_18 = arith.constant 1.000000e+00 : f32
    %broadcast_in_dim3A_19 = vector.broadcast %broadcast_in_dim3A_18 : f32 to vector<16xf32>
    %parallel_loop3A = arith.constant 0 : i32
    %parallel_loop3A_20 = arith.constant 16384 : i32
    %parallel_loop3A_21 = arith.constant 64 : i32
    %parallel_loop3A_22:8 = scf.for %parallel_loop3A_41 = %parallel_loop3A to %parallel_loop3A_20 step %parallel_loop3A_21 iter_args(%parallel_loop3A_42 = %broadcast_in_dim3A_17, %parallel_loop3A_43 = %broadcast_in_dim3A_17, %parallel_loop3A_44 = %broadcast_in_dim3A_17, %parallel_loop3A_45 = %broadcast_in_dim3A_17, %parallel_loop3A_46 = %broadcast_in_dim3A_17, %parallel_loop3A_47 = %broadcast_in_dim3A_17, %parallel_loop3A_48 = %broadcast_in_dim3A_17, %parallel_loop3A_49 = %broadcast_in_dim3A_17) -> (vector<16xf32>, vector<16xf32>, vector<16xf32>, vector<16xf32>, vector<16xf32>, vector<16xf32>, vector<16xf32>, vector<16xf32>)  : i32 {
      %parallel_loop3A_50 = arith.constant 512 : i32
      %parallel_loop3A_51 = arith.divsi %parallel_loop3A_41, %parallel_loop3A_50 : i32
      %parallel_loop3A_52 = arith.constant 0 : i32
      %parallel_loop3A_53 = arith.cmpi sgt, %parallel_loop3A_41, %parallel_loop3A_52 : i32
      %parallel_loop3A_54 = arith.extui %parallel_loop3A_53 : i1 to i32
      %parallel_loop3A_55 = arith.constant 0 : i32
      %parallel_loop3A_56 = arith.cmpi slt, %parallel_loop3A_41, %parallel_loop3A_55 : i32
      %parallel_loop3A_57 = arith.extui %parallel_loop3A_56 : i1 to i32
      %parallel_loop3A_58 = arith.subi %parallel_loop3A_54, %parallel_loop3A_57 : i32
      %parallel_loop3A_59 = arith.constant 0 : i32
      %parallel_loop3A_60 = arith.cmpi sgt, %parallel_loop3A_50, %parallel_loop3A_59 : i32
      %parallel_loop3A_61 = arith.extui %parallel_loop3A_60 : i1 to i32
      %parallel_loop3A_62 = arith.constant 0 : i32
      %parallel_loop3A_63 = arith.cmpi slt, %parallel_loop3A_50, %parallel_loop3A_62 : i32
      %parallel_loop3A_64 = arith.extui %parallel_loop3A_63 : i1 to i32
      %parallel_loop3A_65 = arith.subi %parallel_loop3A_61, %parallel_loop3A_64 : i32
      %parallel_loop3A_66 = arith.cmpi ne, %parallel_loop3A_58, %parallel_loop3A_65 : i32
      %parallel_loop3A_67 = arith.remsi %parallel_loop3A_41, %parallel_loop3A_50 : i32
      %parallel_loop3A_68 = arith.constant 0 : i32
      %parallel_loop3A_69 = arith.cmpi ne, %parallel_loop3A_67, %parallel_loop3A_68 : i32
      %parallel_loop3A_70 = arith.andi %parallel_loop3A_66, %parallel_loop3A_69 : i1
      %parallel_loop3A_71 = arith.constant 1 : i32
      %parallel_loop3A_72 = arith.subi %parallel_loop3A_51, %parallel_loop3A_71 : i32
      %parallel_loop3A_73 = arith.select %parallel_loop3A_70, %parallel_loop3A_72, %parallel_loop3A_51 : i32
      %parallel_loop3A_74 = arith.constant 512 : i32
      %parallel_loop3A_75 = arith.constant 0 : i32
      %parallel_loop3A_76 = arith.cmpi eq, %parallel_loop3A_74, %parallel_loop3A_75 : i32
      %parallel_loop3A_77 = arith.constant 1 : i32
      %parallel_loop3A_78 = arith.select %parallel_loop3A_76, %parallel_loop3A_77, %parallel_loop3A_74 : i32
      %parallel_loop3A_79 = arith.remsi %parallel_loop3A_41, %parallel_loop3A_78 : i32
      %parallel_loop3A_80 = arith.constant 0 : i32
      %parallel_loop3A_81 = arith.cmpi ne, %parallel_loop3A_79, %parallel_loop3A_80 : i32
      %parallel_loop3A_82 = arith.constant 0 : i32
      %parallel_loop3A_83 = arith.cmpi slt, %parallel_loop3A_79, %parallel_loop3A_82 : i32
      %parallel_loop3A_84 = arith.constant 0 : i32
      %parallel_loop3A_85 = arith.cmpi slt, %parallel_loop3A_78, %parallel_loop3A_84 : i32
      %parallel_loop3A_86 = arith.xori %parallel_loop3A_83, %parallel_loop3A_85 : i1
      %parallel_loop3A_87 = arith.andi %parallel_loop3A_86, %parallel_loop3A_81 : i1
      %parallel_loop3A_88 = arith.addi %parallel_loop3A_79, %parallel_loop3A_78 : i32
      %parallel_loop3A_89 = arith.select %parallel_loop3A_87, %parallel_loop3A_88, %parallel_loop3A_79 : i32
      %parallel_loop3A_90 = arith.constant 0 : i32
      %parallel_loop3A_91 = arith.addi %parallel_loop3A_89, %parallel_loop3A_90 : i32
      %parallel_loop3A_92 = arith.index_cast %parallel_loop3A_73 : i32 to index
      %parallel_loop3A_93 = arith.index_cast %parallel_loop3A_91 : i32 to index
      %parallel_loop3A_94 = tpu.vector_load %arg5[%parallel_loop3A_92, %parallel_loop3A_93] {strides = array<i32>} : memref<32x512xf32, #tpu.memory_space<vmem>>, vector<1x16xf32>,
      %parallel_loop3A_95 = vector.shape_cast %parallel_loop3A_94 : vector<1x16xf32> to vector<16xf32>
      %parallel_loop3A_96 = arith.constant 0 : i32
      %parallel_loop3A_97 = arith.addi %parallel_loop3A_89, %parallel_loop3A_96 : i32
      %parallel_loop3A_98 = arith.index_cast %parallel_loop3A_73 : i32 to index
      %parallel_loop3A_99 = arith.index_cast %parallel_loop3A_97 : i32 to index
      %parallel_loop3A_100 = tpu.vector_load %arg6[%parallel_loop3A_98, %parallel_loop3A_99] {strides = array<i32>} : memref<32x512xf32, #tpu.memory_space<vmem>>, vector<1x16xf32>,
      %parallel_loop3A_101 = vector.shape_cast %parallel_loop3A_100 : vector<1x16xf32> to vector<16xf32>
      %parallel_loop3A_102 = arith.constant 1.562500e+00 : f32
      %parallel_loop3A_103 = vector.broadcast %parallel_loop3A_102 : f32 to vector<16xf32>
      %parallel_loop3A_104 = arith.mulf %parallel_loop3A_103, %parallel_loop3A_101 : vector<16xf32>
      %parallel_loop3A_105 = arith.cmpf olt, %parallel_loop3A_95, %parallel_loop3A_104 : vector<16xf32>
      %parallel_loop3A_106 = arith.constant 1.562500e+00 : f32
      %parallel_loop3A_107 = vector.broadcast %parallel_loop3A_106 : f32 to vector<16xf32>
      %parallel_loop3A_108 = arith.mulf %parallel_loop3A_107, %parallel_loop3A_95 : vector<16xf32>
      %parallel_loop3A_109 = arith.cmpf olt, %parallel_loop3A_101, %parallel_loop3A_108 : vector<16xf32>
      %parallel_loop3A_110 = arith.andi %parallel_loop3A_105, %parallel_loop3A_109 : vector<16xi1>
      %parallel_loop3A_111 = arith.select %parallel_loop3A_110, %broadcast_in_dim3A_19, %broadcast_in_dim3A_17 : vector<16xi1>, vector<16xf32>
      %parallel_loop3A_112 = arith.addf %parallel_loop3A_42, %parallel_loop3A_111 : vector<16xf32>
      %parallel_loop3A_113 = arith.constant 0.000000e+00 : f32
      %parallel_loop3A_114 = vector.broadcast %parallel_loop3A_113 : f32 to vector<16xf32>
      %parallel_loop3A_115 = arith.cmpf ogt, %parallel_loop3A_101, %parallel_loop3A_114 : vector<16xf32>
      %parallel_loop3A_116 = arith.select %parallel_loop3A_115, %broadcast_in_dim3A_19, %broadcast_in_dim3A_17 : vector<16xi1>, vector<16xf32>
      %parallel_loop3A_117 = arith.addf %parallel_loop3A_46, %parallel_loop3A_116 : vector<16xf32>
      %parallel_loop3A_118 = arith.constant 16 : i32
      %parallel_loop3A_119 = arith.addi %parallel_loop3A_89, %parallel_loop3A_118 : i32
      %parallel_loop3A_120 = arith.index_cast %parallel_loop3A_73 : i32 to index
      %parallel_loop3A_121 = arith.index_cast %parallel_loop3A_119 : i32 to index
      %parallel_loop3A_122 = tpu.vector_load %arg5[%parallel_loop3A_120, %parallel_loop3A_121] {strides = array<i32>} : memref<32x512xf32, #tpu.memory_space<vmem>>, vector<1x16xf32>,
      %parallel_loop3A_123 = vector.shape_cast %parallel_loop3A_122 : vector<1x16xf32> to vector<16xf32>
      %parallel_loop3A_124 = arith.constant 16 : i32
      %parallel_loop3A_125 = arith.addi %parallel_loop3A_89, %parallel_loop3A_124 : i32
      %parallel_loop3A_126 = arith.index_cast %parallel_loop3A_73 : i32 to index
      %parallel_loop3A_127 = arith.index_cast %parallel_loop3A_125 : i32 to index
      %parallel_loop3A_128 = tpu.vector_load %arg6[%parallel_loop3A_126, %parallel_loop3A_127] {strides = array<i32>} : memref<32x512xf32, #tpu.memory_space<vmem>>, vector<1x16xf32>,
      %parallel_loop3A_129 = vector.shape_cast %parallel_loop3A_128 : vector<1x16xf32> to vector<16xf32>
      %parallel_loop3A_130 = arith.constant 1.562500e+00 : f32
      %parallel_loop3A_131 = vector.broadcast %parallel_loop3A_130 : f32 to vector<16xf32>
      %parallel_loop3A_132 = arith.mulf %parallel_loop3A_131, %parallel_loop3A_129 : vector<16xf32>
      %parallel_loop3A_133 = arith.cmpf olt, %parallel_loop3A_123, %parallel_loop3A_132 : vector<16xf32>
      %parallel_loop3A_134 = arith.constant 1.562500e+00 : f32
      %parallel_loop3A_135 = vector.broadcast %parallel_loop3A_134 : f32 to vector<16xf32>
      %parallel_loop3A_136 = arith.mulf %parallel_loop3A_135, %parallel_loop3A_123 : vector<16xf32>
      %parallel_loop3A_137 = arith.cmpf olt, %parallel_loop3A_129, %parallel_loop3A_136 : vector<16xf32>
      %parallel_loop3A_138 = arith.andi %parallel_loop3A_133, %parallel_loop3A_137 : vector<16xi1>
      %parallel_loop3A_139 = arith.select %parallel_loop3A_138, %broadcast_in_dim3A_19, %broadcast_in_dim3A_17 : vector<16xi1>, vector<16xf32>
      %parallel_loop3A_140 = arith.addf %parallel_loop3A_43, %parallel_loop3A_139 : vector<16xf32>
      %parallel_loop3A_141 = arith.constant 0.000000e+00 : f32
      %parallel_loop3A_142 = vector.broadcast %parallel_loop3A_141 : f32 to vector<16xf32>
      %parallel_loop3A_143 = arith.cmpf ogt, %parallel_loop3A_129, %parallel_loop3A_142 : vector<16xf32>
      %parallel_loop3A_144 = arith.select %parallel_loop3A_143, %broadcast_in_dim3A_19, %broadcast_in_dim3A_17 : vector<16xi1>, vector<16xf32>
      %parallel_loop3A_145 = arith.addf %parallel_loop3A_47, %parallel_loop3A_144 : vector<16xf32>
      %parallel_loop3A_146 = arith.constant 32 : i32
      %parallel_loop3A_147 = arith.addi %parallel_loop3A_89, %parallel_loop3A_146 : i32
      %parallel_loop3A_148 = arith.index_cast %parallel_loop3A_73 : i32 to index
      %parallel_loop3A_149 = arith.index_cast %parallel_loop3A_147 : i32 to index
      %parallel_loop3A_150 = tpu.vector_load %arg5[%parallel_loop3A_148, %parallel_loop3A_149] {strides = array<i32>} : memref<32x512xf32, #tpu.memory_space<vmem>>, vector<1x16xf32>,
      %parallel_loop3A_151 = vector.shape_cast %parallel_loop3A_150 : vector<1x16xf32> to vector<16xf32>
      %parallel_loop3A_152 = arith.constant 32 : i32
      %parallel_loop3A_153 = arith.addi %parallel_loop3A_89, %parallel_loop3A_152 : i32
      %parallel_loop3A_154 = arith.index_cast %parallel_loop3A_73 : i32 to index
      %parallel_loop3A_155 = arith.index_cast %parallel_loop3A_153 : i32 to index
      %parallel_loop3A_156 = tpu.vector_load %arg6[%parallel_loop3A_154, %parallel_loop3A_155] {strides = array<i32>} : memref<32x512xf32, #tpu.memory_space<vmem>>, vector<1x16xf32>,
      %parallel_loop3A_157 = vector.shape_cast %parallel_loop3A_156 : vector<1x16xf32> to vector<16xf32>
      %parallel_loop3A_158 = arith.constant 1.562500e+00 : f32
      %parallel_loop3A_159 = vector.broadcast %parallel_loop3A_158 : f32 to vector<16xf32>
      %parallel_loop3A_160 = arith.mulf %parallel_loop3A_159, %parallel_loop3A_157 : vector<16xf32>
      %parallel_loop3A_161 = arith.cmpf olt, %parallel_loop3A_151, %parallel_loop3A_160 : vector<16xf32>
      %parallel_loop3A_162 = arith.constant 1.562500e+00 : f32
      %parallel_loop3A_163 = vector.broadcast %parallel_loop3A_162 : f32 to vector<16xf32>
      %parallel_loop3A_164 = arith.mulf %parallel_loop3A_163, %parallel_loop3A_151 : vector<16xf32>
      %parallel_loop3A_165 = arith.cmpf olt, %parallel_loop3A_157, %parallel_loop3A_164 : vector<16xf32>
      %parallel_loop3A_166 = arith.andi %parallel_loop3A_161, %parallel_loop3A_165 : vector<16xi1>
      %parallel_loop3A_167 = arith.select %parallel_loop3A_166, %broadcast_in_dim3A_19, %broadcast_in_dim3A_17 : vector<16xi1>, vector<16xf32>
      %parallel_loop3A_168 = arith.addf %parallel_loop3A_44, %parallel_loop3A_167 : vector<16xf32>
      %parallel_loop3A_169 = arith.constant 0.000000e+00 : f32
      %parallel_loop3A_170 = vector.broadcast %parallel_loop3A_169 : f32 to vector<16xf32>
      %parallel_loop3A_171 = arith.cmpf ogt, %parallel_loop3A_157, %parallel_loop3A_170 : vector<16xf32>
      %parallel_loop3A_172 = arith.select %parallel_loop3A_171, %broadcast_in_dim3A_19, %broadcast_in_dim3A_17 : vector<16xi1>, vector<16xf32>
      %parallel_loop3A_173 = arith.addf %parallel_loop3A_48, %parallel_loop3A_172 : vector<16xf32>
      %parallel_loop3A_174 = arith.constant 48 : i32
      %parallel_loop3A_175 = arith.addi %parallel_loop3A_89, %parallel_loop3A_174 : i32
      %parallel_loop3A_176 = arith.index_cast %parallel_loop3A_73 : i32 to index
      %parallel_loop3A_177 = arith.index_cast %parallel_loop3A_175 : i32 to index
      %parallel_loop3A_178 = tpu.vector_load %arg5[%parallel_loop3A_176, %parallel_loop3A_177] {strides = array<i32>} : memref<32x512xf32, #tpu.memory_space<vmem>>, vector<1x16xf32>,
      %parallel_loop3A_179 = vector.shape_cast %parallel_loop3A_178 : vector<1x16xf32> to vector<16xf32>
      %parallel_loop3A_180 = arith.constant 48 : i32
      %parallel_loop3A_181 = arith.addi %parallel_loop3A_89, %parallel_loop3A_180 : i32
      %parallel_loop3A_182 = arith.index_cast %parallel_loop3A_73 : i32 to index
      %parallel_loop3A_183 = arith.index_cast %parallel_loop3A_181 : i32 to index
      %parallel_loop3A_184 = tpu.vector_load %arg6[%parallel_loop3A_182, %parallel_loop3A_183] {strides = array<i32>} : memref<32x512xf32, #tpu.memory_space<vmem>>, vector<1x16xf32>,
      %parallel_loop3A_185 = vector.shape_cast %parallel_loop3A_184 : vector<1x16xf32> to vector<16xf32>
      %parallel_loop3A_186 = arith.constant 1.562500e+00 : f32
      %parallel_loop3A_187 = vector.broadcast %parallel_loop3A_186 : f32 to vector<16xf32>
      %parallel_loop3A_188 = arith.mulf %parallel_loop3A_187, %parallel_loop3A_185 : vector<16xf32>
      %parallel_loop3A_189 = arith.cmpf olt, %parallel_loop3A_179, %parallel_loop3A_188 : vector<16xf32>
      %parallel_loop3A_190 = arith.constant 1.562500e+00 : f32
      %parallel_loop3A_191 = vector.broadcast %parallel_loop3A_190 : f32 to vector<16xf32>
      %parallel_loop3A_192 = arith.mulf %parallel_loop3A_191, %parallel_loop3A_179 : vector<16xf32>
      %parallel_loop3A_193 = arith.cmpf olt, %parallel_loop3A_185, %parallel_loop3A_192 : vector<16xf32>
      %parallel_loop3A_194 = arith.andi %parallel_loop3A_189, %parallel_loop3A_193 : vector<16xi1>
      %parallel_loop3A_195 = arith.select %parallel_loop3A_194, %broadcast_in_dim3A_19, %broadcast_in_dim3A_17 : vector<16xi1>, vector<16xf32>
      %parallel_loop3A_196 = arith.addf %parallel_loop3A_45, %parallel_loop3A_195 : vector<16xf32>
      %parallel_loop3A_197 = arith.constant 0.000000e+00 : f32
      %parallel_loop3A_198 = vector.broadcast %parallel_loop3A_197 : f32 to vector<16xf32>
      %parallel_loop3A_199 = arith.cmpf ogt, %parallel_loop3A_185, %parallel_loop3A_198 : vector<16xf32>
      %parallel_loop3A_200 = arith.select %parallel_loop3A_199, %broadcast_in_dim3A_19, %broadcast_in_dim3A_17 : vector<16xi1>, vector<16xf32>
      %parallel_loop3A_201 = arith.addf %parallel_loop3A_49, %parallel_loop3A_200 : vector<16xf32>
      scf.yield %parallel_loop3A_112, %parallel_loop3A_140, %parallel_loop3A_168, %parallel_loop3A_196, %parallel_loop3A_117, %parallel_loop3A_145, %parallel_loop3A_173, %parallel_loop3A_201 : vector<16xf32>, vector<16xf32>, vector<16xf32>, vector<16xf32>, vector<16xf32>, vector<16xf32>, vector<16xf32>, vector<16xf32>
    } {sc.loop_unroll_factor = 2 : i64, sc.parallel_access}
    %add3A_23 = arith.addf %parallel_loop3A_22#0, %parallel_loop3A_22#1 : vector<16xf32>
    %add3A_24 = arith.addf %parallel_loop3A_22#4, %parallel_loop3A_22#5 : vector<16xf32>
    %add3A_25 = arith.addf %add3A_23, %parallel_loop3A_22#2 : vector<16xf32>
    %add3A_26 = arith.addf %add3A_24, %parallel_loop3A_22#6 : vector<16xf32>
    %add3A_27 = arith.addf %add3A_25, %parallel_loop3A_22#3 : vector<16xf32>
    %add3A_28 = arith.addf %add3A_26, %parallel_loop3A_22#7 : vector<16xf32>
    %swap3A = arith.constant 0 : index
    %swap3A_29 = tpu.vector_load %arg7[%swap3A] {strides = array<i32>} : memref<16xf32, #tpu.memory_space<vmem>>, vector<16xf32>,
    %swap3A_30 = vector.shape_cast %swap3A_29 : vector<16xf32> to vector<16xf32>
    %swap3A_31 = vector.shape_cast %add3A_27 : vector<16xf32> to vector<16xf32>
    tpu.vector_store %arg7[%swap3A], %swap3A_31 {strides = array<i32>} : memref<16xf32, #tpu.memory_space<vmem>>, vector<16xf32>,
    %swap3A_32 = arith.constant 0 : index
    %swap3A_33 = tpu.vector_load %arg8[%swap3A_32] {strides = array<i32>} : memref<16xf32, #tpu.memory_space<vmem>>, vector<16xf32>,
    %swap3A_34 = vector.shape_cast %swap3A_33 : vector<16xf32> to vector<16xf32>
    %swap3A_35 = vector.shape_cast %add3A_28 : vector<16xf32> to vector<16xf32>
    tpu.vector_store %arg8[%swap3A_32], %swap3A_35 {strides = array<i32>} : memref<16xf32, #tpu.memory_space<vmem>>, vector<16xf32>,
    %mul3A_36 = arith.constant 16 : i32
    %mul3A_37 = arith.muli %add3A, %mul3A_36 : i32
    %run_scoped3A = arith.constant 0 : i32
    "tpu.region"() ({
      %run_scoped3A_41 = tpu.sem_alloc : memref<!tpu.dma_semaphore, #tpu.memory_space<semaphore_mem>>
      %dma_start3A_42 = tpu.memref_slice %arg4[%run_scoped3A, %mul3A_37] : memref<2x512xf32, #tpu.memory_space<hbm>> -> memref<1x16xf32, #tpu.memory_space<hbm>>
      %dma_start3A_43 = tpu.memref_squeeze %dma_start3A_42 : memref<1x16xf32, #tpu.memory_space<hbm>> -> memref<16xf32, #tpu.memory_space<hbm>>
      %dma_start3A_44 = tpu.memref_slice %arg4[%run_scoped3A, %mul3A_37] : memref<2x512xf32, #tpu.memory_space<hbm>> -> memref<1x16xf32, #tpu.memory_space<hbm>>
      %dma_start3A_45 = tpu.memref_squeeze %dma_start3A_44 : memref<1x16xf32, #tpu.memory_space<hbm>> -> memref<16xf32, #tpu.memory_space<hbm>>
      tpu.enqueue_dma source(%arg7 : memref<16xf32, #tpu.memory_space<vmem>>) target(%dma_start3A_45 : memref<16xf32, #tpu.memory_space<hbm>>) target_semaphore(%run_scoped3A_41 : memref<!tpu.dma_semaphore, #tpu.memory_space<semaphore_mem>>)
      %dma_wait3A_46 = tpu.memref_slice %arg4[%run_scoped3A, %mul3A_37] : memref<2x512xf32, #tpu.memory_space<hbm>> -> memref<1x16xf32, #tpu.memory_space<hbm>>
      %dma_wait3A_47 = tpu.memref_squeeze %dma_wait3A_46 : memref<1x16xf32, #tpu.memory_space<hbm>> -> memref<16xf32, #tpu.memory_space<hbm>>
      %dma_wait3A_48 = tpu.memref_slice %arg4[%run_scoped3A, %mul3A_37] : memref<2x512xf32, #tpu.memory_space<hbm>> -> memref<1x16xf32, #tpu.memory_space<hbm>>
      %dma_wait3A_49 = tpu.memref_squeeze %dma_wait3A_48 : memref<1x16xf32, #tpu.memory_space<hbm>> -> memref<16xf32, #tpu.memory_space<hbm>>
      tpu.wait_dma2 semaphore(%run_scoped3A_41 : memref<!tpu.dma_semaphore, #tpu.memory_space<semaphore_mem>>) src(%arg7 : memref<16xf32, #tpu.memory_space<vmem>>) dst(%dma_wait3A_49 : memref<16xf32, #tpu.memory_space<hbm>>)
      tpu.yield
    }) : () -> ()
    %mul3A_38 = arith.constant 16 : i32
    %mul3A_39 = arith.muli %add3A, %mul3A_38 : i32
    %run_scoped3A_40 = arith.constant 1 : i32
    "tpu.region"() ({
      %run_scoped3A_41 = tpu.sem_alloc : memref<!tpu.dma_semaphore, #tpu.memory_space<semaphore_mem>>
      %dma_start3A_42 = tpu.memref_slice %arg4[%run_scoped3A_40, %mul3A_39] : memref<2x512xf32, #tpu.memory_space<hbm>> -> memref<1x16xf32, #tpu.memory_space<hbm>>
      %dma_start3A_43 = tpu.memref_squeeze %dma_start3A_42 : memref<1x16xf32, #tpu.memory_space<hbm>> -> memref<16xf32, #tpu.memory_space<hbm>>
      %dma_start3A_44 = tpu.memref_slice %arg4[%run_scoped3A_40, %mul3A_39] : memref<2x512xf32, #tpu.memory_space<hbm>> -> memref<1x16xf32, #tpu.memory_space<hbm>>
      %dma_start3A_45 = tpu.memref_squeeze %dma_start3A_44 : memref<1x16xf32, #tpu.memory_space<hbm>> -> memref<16xf32, #tpu.memory_space<hbm>>
      tpu.enqueue_dma source(%arg8 : memref<16xf32, #tpu.memory_space<vmem>>) target(%dma_start3A_45 : memref<16xf32, #tpu.memory_space<hbm>>) target_semaphore(%run_scoped3A_41 : memref<!tpu.dma_semaphore, #tpu.memory_space<semaphore_mem>>)
      %dma_wait3A_46 = tpu.memref_slice %arg4[%run_scoped3A_40, %mul3A_39] : memref<2x512xf32, #tpu.memory_space<hbm>> -> memref<1x16xf32, #tpu.memory_space<hbm>>
      %dma_wait3A_47 = tpu.memref_squeeze %dma_wait3A_46 : memref<1x16xf32, #tpu.memory_space<hbm>> -> memref<16xf32, #tpu.memory_space<hbm>>
      %dma_wait3A_48 = tpu.memref_slice %arg4[%run_scoped3A_40, %mul3A_39] : memref<2x512xf32, #tpu.memory_space<hbm>> -> memref<1x16xf32, #tpu.memory_space<hbm>>
      %dma_wait3A_49 = tpu.memref_squeeze %dma_wait3A_48 : memref<1x16xf32, #tpu.memory_space<hbm>> -> memref<16xf32, #tpu.memory_space<hbm>>
      tpu.wait_dma2 semaphore(%run_scoped3A_41 : memref<!tpu.dma_semaphore, #tpu.memory_space<semaphore_mem>>) src(%arg8 : memref<16xf32, #tpu.memory_space<vmem>>) dst(%dma_wait3A_49 : memref<16xf32, #tpu.memory_space<hbm>>)
      tpu.yield
    }) : () -> ()
    return
  }
}

module attributes {stable_mosaic.version = 14 : i64} {
  func.func @_tc_body(%arg0: i32, %arg1: memref<512x512xf32, #tpu.memory_space<vmem>>, %arg2: memref<512x512xf32, #tpu.memory_space<vmem>>, %arg3: memref<2xf32, #tpu.memory_space<smem>>) attributes {dimension_semantics = [#tpu.dimension_semantics<arbitrary>], iteration_bounds = array<i64: 6>, scalar_prefetch = 0 : i64, scratch_operands = 0 : i64, tpu.core_type = #tpu.core_type<tc>, window_params = [{transform_indices = @transform_0, window_bounds = array<i64: 512, 512>}, {transform_indices = @transform_1, window_bounds = array<i64: 512, 512>}, {transform_indices = @transform_2, window_bounds = array<i64: 2>}]} {
    %eq3A = arith.constant 0 : i32
    %eq3A_0 = arith.cmpi eq, %arg0, %eq3A : i32
    %convert_element_type3A = arith.extui %eq3A_0 : i1 to i32
    %cond3A = arith.constant 0 : i32
    %cond3A_1 = arith.cmpi ne, %convert_element_type3A, %cond3A : i32
    scf.if %cond3A_1 {
      %swap3A_36 = arith.constant 0.000000e+00 : f32
      %swap3A_37 = arith.constant 0 : index
      %swap3A_38 = memref.load %arg3[%swap3A_37] : memref<2xf32, #tpu.memory_space<smem>>
      memref.store %swap3A_36, %arg3[%swap3A_37] : memref<2xf32, #tpu.memory_space<smem>>
      %swap3A_39 = arith.constant 0.000000e+00 : f32
      %swap3A_40 = arith.constant 1 : index
      %swap3A_41 = memref.load %arg3[%swap3A_40] : memref<2xf32, #tpu.memory_space<smem>>
      memref.store %swap3A_39, %arg3[%swap3A_40] : memref<2xf32, #tpu.memory_space<smem>>
    } else {
    }
    %get3A = arith.constant 0 : index
    %get3A_2 = arith.constant 0 : index
    %get3A_3 = vector.load %arg1[%get3A, %get3A_2] : memref<512x512xf32, #tpu.memory_space<vmem>>, vector<512x512xf32>
    %get3A_4 = arith.constant 0 : index
    %get3A_5 = arith.constant 0 : index
    %get3A_6 = vector.load %arg2[%get3A_4, %get3A_5] : memref<512x512xf32, #tpu.memory_space<vmem>>, vector<512x512xf32>
    %mul3A = arith.constant 1.562500e+00 : f32
    %mul3A_7 = vector.broadcast %mul3A : f32 to vector<512x512xf32>
    %mul3A_8 = arith.mulf %mul3A_7, %get3A_6 : vector<512x512xf32>
    %lt3A = arith.cmpf olt, %get3A_3, %mul3A_8 : vector<512x512xf32>
    %mul3A_9 = arith.constant 1.562500e+00 : f32
    %mul3A_10 = vector.broadcast %mul3A_9 : f32 to vector<512x512xf32>
    %mul3A_11 = arith.mulf %mul3A_10, %get3A_3 : vector<512x512xf32>
    %lt3A_12 = arith.cmpf olt, %get3A_6, %mul3A_11 : vector<512x512xf32>
    %and3A = arith.andi %lt3A, %lt3A_12 : vector<512x512xi1>
    %get3A_13 = arith.constant 0 : index
    %get3A_14 = memref.load %arg3[%get3A_13] : memref<2xf32, #tpu.memory_space<smem>>
    %convert_element_type3A_15 = arith.extui %and3A : vector<512x512xi1> to vector<512x512xi32>
    %convert_element_type3A_16 = arith.sitofp %convert_element_type3A_15 : vector<512x512xi32> to vector<512x512xf32>
    %reduce_sum3A = vector.shape_cast %convert_element_type3A_16 : vector<512x512xf32> to vector<1x512x512xf32>
    %reduce_sum3A_17 = arith.constant dense<0.000000e+00> : vector<1xf32>
    %reduce_sum3A_18 = vector.multi_reduction <add>, %reduce_sum3A, %reduce_sum3A_17 [1, 2] : vector<1x512x512xf32> to vector<1xf32>
    %reduce_sum3A_19 = vector.shape_cast %reduce_sum3A_18 : vector<1xf32> to vector<1x1x1xf32>
    %reduce_sum3A_20 = vector.extract %reduce_sum3A_19[0, 0, 0] : f32 from vector<1x1x1xf32>
    %add3A = arith.addf %get3A_14, %reduce_sum3A_20 : f32
    %swap3A = arith.constant 0 : index
    %swap3A_21 = memref.load %arg3[%swap3A] : memref<2xf32, #tpu.memory_space<smem>>
    memref.store %add3A, %arg3[%swap3A] : memref<2xf32, #tpu.memory_space<smem>>
    %get3A_22 = arith.constant 1 : index
    %get3A_23 = memref.load %arg3[%get3A_22] : memref<2xf32, #tpu.memory_space<smem>>
    %gt3A = arith.constant 0.000000e+00 : f32
    %gt3A_24 = vector.broadcast %gt3A : f32 to vector<512x512xf32>
    %gt3A_25 = arith.cmpf ogt, %get3A_6, %gt3A_24 : vector<512x512xf32>
    %convert_element_type3A_26 = arith.extui %gt3A_25 : vector<512x512xi1> to vector<512x512xi32>
    %convert_element_type3A_27 = arith.sitofp %convert_element_type3A_26 : vector<512x512xi32> to vector<512x512xf32>
    %reduce_sum3A_28 = vector.shape_cast %convert_element_type3A_27 : vector<512x512xf32> to vector<1x512x512xf32>
    %reduce_sum3A_29 = arith.constant dense<0.000000e+00> : vector<1xf32>
    %reduce_sum3A_30 = vector.multi_reduction <add>, %reduce_sum3A_28, %reduce_sum3A_29 [1, 2] : vector<1x512x512xf32> to vector<1xf32>
    %reduce_sum3A_31 = vector.shape_cast %reduce_sum3A_30 : vector<1xf32> to vector<1x1x1xf32>
    %reduce_sum3A_32 = vector.extract %reduce_sum3A_31[0, 0, 0] : f32 from vector<1x1x1xf32>
    %add3A_33 = arith.addf %get3A_23, %reduce_sum3A_32 : f32
    %swap3A_34 = arith.constant 1 : index
    %swap3A_35 = memref.load %arg3[%swap3A_34] : memref<2xf32, #tpu.memory_space<smem>>
    memref.store %add3A_33, %arg3[%swap3A_34] : memref<2xf32, #tpu.memory_space<smem>>
    return
  }
  func.func @transform_0(%arg0: i32) -> (i32, i32) {
    %add3A = arith.constant 2 : i32
    %add3A_0 = arith.addi %arg0, %add3A : i32
    %c0_i32 = arith.constant 0 : i32
    %c0_i32_1 = arith.constant 0 : i32
    return %add3A_0, %c0_i32 : i32, i32
  }
  func.func @transform_1(%arg0: i32) -> (i32, i32) {
    %add3A = arith.constant 2 : i32
    %add3A_0 = arith.addi %arg0, %add3A : i32
    %c0_i32 = arith.constant 0 : i32
    %c0_i32_1 = arith.constant 0 : i32
    return %add3A_0, %c0_i32 : i32, i32
  }
  func.func @transform_2(%arg0: i32) -> i32 {
    %c0_i32 = arith.constant 0 : i32
    %c0_i32_0 = arith.constant 0 : i32
    return %c0_i32 : i32
  }
}

</mosaic_0001>

<sc_bundles>
// kernel: kernel.4.cloned.1.call-start
scs
__scs_entry_jumppad:
0x0: {  	(pc) =	sbr.rel $0x88, $3  }
0x1: {  	(tag) =	ssettag $0x0;
	lr =	simm.s32 $0x1  }
0x2: {  	[smem:$0x3F9F] =	sst lr;
	_ =	strace $0xD0000000  }
0x3: {  	_ = 	snop  }
0x4: {  	_ = 	snop  }
0x5: {  	_ = 	snop  }
0x6: {  	_ = 	snop  }
0x7: {  	_ = 	snop  }
__scs_overlays_trampoline_lowered:
0x8: {  	[smem:$0x3FAE] =	sst s0  }
0x9: {  	[smem:$0x3FAF] =	sst s1  }
0xa: {  	[smem:$0x3FB0] =	sst s2  }
0xb: {  	[smem:$0x3FB1] =	sst s3  }
0xc: {  	[smem:$0x3FB2] =	sst s4  }
0xd: {  	[smem:$0x3FB3] =	sst s5  }
0xe: {  	[smem:$0x3FB4] =	sst s6  }
0xf: {  	[smem:$0x3FB5] =	sst s7  }
0x10: {  	[smem:$0x3FB6] =	sst s8  }
0x11: {  	[smem:$0x3FB7] =	sst s9;
	s0 =	simm.s32 @!p0 $0x0  }
0x12: {  	s1 =	sld [smem:$0x3F9D];
	s0 =	simm.s32 @p0 $0x1  }
0x13: {  	[smem:$0x3FB8] =	sst s0;
	s0 =	simm.s32 @!p1 $0x0  }
0x14: {  	s2 =	sld [smem:$0x3F9C];
	s0 =	simm.s32 @p1 $0x1  }
0x15: {  	[smem:$0x3FB9] =	sst s0;
	s0 =	simm.s32 @!p2 $0x0  }
0x16: {  	s3 =	sld [smem:$0x3FDB];
	s0 =	simm.s32 @p2 $0x1  }
0x17: {  	s4 =	simm.s32 $0x1BF5;
	[smem:$0x3FBB] =	sst s0  }
0x18: {  	s0 =	sld [smem:$0x3F9E];
	_ =	swait.ge [sflag:s4], $0x0  }
0x19: {  	s7 =	sld [smem:$0x3F9F]  }
0x1a: {  	s8 =	sadd.s32 $0xFFFFE003, lr  }
0x1b: {  	s9 =	sadd.s32 $0xFFFFFEF7, lr;
	s5 =	simm.s32 $0xFFFFFFFF;
	p2 =	slt.u32 s8, $0xFFFFF086  }
0x1c: {  	p1 =	slt.u32 s9, $0xF7A;
	s5 =	simm.s32 @!p2 $0x0  }
0x1d: {  	s5 =	simm.s32 @p1 $0x1;
	p0 =	seq.s32 s7, s2  }
0x1e: {  	s7 =	smul.u32 @!p0 $0xF7A, s2;
	p2 =	seq.s32 @!p0 s5, $0x0  }
0x1f: {  	s9 =	smul.u32 $0xF7A, s1;
	s8 =	simm.s32 @!p0 $0x1BF5;
	p2 =	por !p2, p0  }
0x20: {  	[sflag:s8] =	ssyncset.s32 @!p0 $0xFFFFF086;
	s6 =	sadd.s32 @!p0 s3, s7;
	s7 =	simm.s32 @!p0 $0x108  }
0x21: {  	s3 =	sadd.s32 s3, s9;
	s6 =	sadd.s32 @!p0 $0x88, s6;
	s7 =	simm.s32 @p2 $0x1082  }
0x22: {  	[simem:s7], [sflag:s8] =	dma.local @!p0 [hbm:s6], $0xF7A  }
0x23: {  	s9 =	sor.u32 $0xD0000000, s2;
	s6 =	simm.s32 $0x108;
	_ =	swait.ge @!p0 [sflag:s8], $0x0  }
0x24: {  	s3 =	sadd.s32 $0x88, s3;
	s6 =	simm.s32 @!p1 $0x1082;
	[sflag:s4] =	ssyncset.s32 $0xFFFFF086  }
0x25: {  	[simem:s6], [sflag:s4] =	dma.local [hbm:s3], $0xF7A  }
0x26: {  	[smem:$0x3F9F] =	sst s1;
	(tag) =	ssettag s2;
	_ =	strace s9  }
0x27: {  	s1 =	sld [smem:$0x3FAF]  }
0x28: {  	s2 =	sld [smem:$0x3FB0]  }
0x29: {  	s4 =	sld [smem:$0x3FB2]  }
0x2a: {  	p0 =	seq.s32 s5, $0x0;
	s5 =	sld [smem:$0x3FB3]  }
0x2b: {  	s6 =	sld [smem:$0x3FB4]  }
0x2c: {  	s7 =	sld [smem:$0x3FB5]  }
0x2d: {  	s3 =	simm.s32 $0x108;
	s8 =	sld [smem:$0x3FB6]  }
0x2e: {  	s3 =	simm.s32 @!p0 $0x1082;
	s9 =	sld [smem:$0x3FB7]  }
0x2f: {  	lr =	sadd.s32 s0, s3;
	s0 =	sld [smem:$0x3FAE]  }
0x30: {  	s3 =	sld [smem:$0x3FB1]  }
0x31: {  	[smem:$0x3FBA] =	sst s10  }
0x32: {  	s10 =	sld [smem:$0x3FB8];
	_ =	sdelay $0x3  }
0x33: {  	p0 =	seq.s32 s10, $0x1;
	s10 =	sld [smem:$0x3FBA];
	_ =	sdelay $0x3  }
0x34: {  	[smem:$0x3FBA] =	sst s10  }
0x35: {  	s10 =	sld [smem:$0x3FB9];
	_ =	sdelay $0x3  }
0x36: {  	p1 =	seq.s32 s10, $0x1;
	s10 =	sld [smem:$0x3FBA];
	_ =	sdelay $0x3  }
0x37: {  	[smem:$0x3FBA] =	sst s10  }
0x38: {  	s10 =	sld [smem:$0x3FBB]  }
0x39: {  	_ = 	snop;
	(pc) =	sbr.ind lr, $3  }
0x3a: {  	_ = 	snop  }
0x3b: {  	_ = 	snop  }
0x3c: {  	p2 =	seq.s32 s10, $0x1;
	s10 =	sld [smem:$0x3FBA]  }
0x3d: {  	_ =	shalt  }
0x3e: {  	_ =	shalt  }
0x3f: {  	_ =	shalt  }
0x40: {  	_ =	shalt  }
0x41: {  	_ =	shalt  }
0x42: {  	_ =	shalt  }
0x43: {  	_ =	shalt  }
0x44: {  	_ =	shalt  }
0x45: {  	_ =	shalt  }
0x46: {  	_ =	shalt  }
0x47: {  	_ =	shalt  }
0x48: {  	_ =	shalt  }
0x49: {  	_ =	shalt  }
0x4a: {  	_ =	shalt  }
0x4b: {  	_ =	shalt  }
0x4c: {  	_ =	shalt  }
0x4d: {  	_ =	shalt  }
0x4e: {  	_ =	shalt  }
0x4f: {  	_ =	shalt  }
0x50: {  	_ =	shalt  }
0x51: {  	_ =	shalt  }
0x52: {  	_ =	shalt  }
0x53: {  	_ =	shalt  }
0x54: {  	_ =	shalt  }
0x55: {  	_ =	shalt  }
0x56: {  	_ =	shalt  }
0x57: {  	_ =	shalt  }
0x58: {  	_ =	shalt  }
0x59: {  	_ =	shalt  }
0x5a: {  	_ =	shalt  }
0x5b: {  	_ =	shalt  }
0x5c: {  	_ =	shalt  }
0x5d: {  	_ =	shalt  }
0x5e: {  	_ =	shalt  }
0x5f: {  	_ =	shalt  }
0x60: {  	_ =	shalt  }
0x61: {  	_ =	shalt  }
0x62: {  	_ =	shalt  }
0x63: {  	_ =	shalt  }
0x64: {  	_ =	shalt  }
0x65: {  	_ =	shalt  }
0x66: {  	_ =	shalt  }
0x67: {  	_ =	shalt  }
0x68: {  	_ =	shalt  }
0x69: {  	_ =	shalt  }
0x6a: {  	_ =	shalt  }
0x6b: {  	_ =	shalt  }
0x6c: {  	_ =	shalt  }
0x6d: {  	_ =	shalt  }
0x6e: {  	_ =	shalt  }
0x6f: {  	_ =	shalt  }
0x70: {  	_ =	shalt  }
0x71: {  	_ =	shalt  }
0x72: {  	_ =	shalt  }
0x73: {  	_ =	shalt  }
0x74: {  	_ =	shalt  }
0x75: {  	_ =	shalt  }
0x76: {  	_ =	shalt  }
0x77: {  	_ =	shalt  }
0x78: {  	_ =	shalt  }
0x79: {  	_ =	shalt  }
0x7a: {  	_ =	shalt  }
0x7b: {  	_ =	shalt  }
0x7c: {  	_ =	shalt  }
0x7d: {  	_ =	shalt  }
0x7e: {  	_ =	shalt  }
0x7f: {  	_ =	shalt  }
0x80: {  	_ =	shalt  }
0x81: {  	_ =	shalt  }
0x82: {  	_ =	shalt  }
0x83: {  	_ =	shalt  }
0x84: {  	_ =	shalt  }
0x85: {  	_ =	shalt  }
0x86: {  	_ =	shalt  }
0x87: {  	_ =	shalt  }
.Lfunc_end0:
.L_simem_size_0:
called_computation_lowered:
.L_overlay_start_0:
0x88: {  	s2 =	sld [smem:$0x3FD9]  }
0x89: {  	s3 =	sld [smem:$0x3FFE];
	_ =	sdelay $0x1  }
0x8a: {  	s1 =	srdreg.scid  }
0x8b: {  	s0 =	sand.u32 $0x1, s1  }
0x8c: {  	s17 =	sshll.u32 s0, $0xA;
	s2 =	sadd.s32 s3, s2  }
0x8d: {  	s2 =	sadd.s32 s2, s17  }
0x8e: {  	[smem:$0x3FC6] =	sst s2  }
0x8f: {  	_ = 	snop  }
0x90: {  	s2 =	sld [smem:$0x3FC9]  }
0x91: {  	s18 =	sld [smem:$0x3FC8];
	(tm) =	ssettm $0x1  }
0x92: {  	s4 =	sld [smem:$0x3FFB];
	_ =	sdelay $0x3  }
0x93: {  	_ =	strace s4  }
0x94: {  	s4 =	sld [smem:$0x3FFC];
	_ =	sdelay $0x3  }
0x95: {  	_ =	strace s4  }
0x96: {  	s4 =	sld [smem:$0x3FFD];
	_ =	sdelay $0x3  }
0x97: {  	_ =	strace s4  }
0x98: {  	_ =	strace $0x8FFFFFFF  }
0x99: {  	s19 =	sld [smem:$0x3FDB];
	_ =	sdelay $0x1  }
0x9a: {  	s5 =	simm.s32 $_scs_section_size  }
0x9b: {  	s6 =	simm.s32 $_size__tile_overlayer_lowered;
	s7 =	simm.s32 $_tile_overlayer_lowered  }
0x9c: {  	s22 =	simm.s32 $0x1BFF;
	s21 =	sshll.u32 s7, $0x1;
	s4 =	sadd.s32 s5, s19  }
0x9d: {  	s8 =	simm.s32 $0x0;
	s20 =	sshll.u32 s6, $0x1;
	s6 =	sadd.s32 s21, s4  }
0x9e: {  	[timem:s8], [sflag:s22] =	dma.local [hbm:s6], s20  }
0x9f: {  	_ =	swait.ge [sflag:s22], s20  }
0xa0: {  	s5 =	ssub.s32 $0x0, s20;
	[sflag:s22] =	ssyncset.done $0x0  }
0xa1: {  	[sflag:s22] =	ssyncadd.s32 s5;
	_ =	sdelay $0x1  }
0xa2: {  	s23 =	simm.s32 $0x1B8B  }
0xa3: {  	_ =	swait.ge [sflag:s23], $0x1  }
0xa4: {  	[sflag:s23] =	ssyncset.done $0x0  }
0xa5: {  	s25 =	simm.s32 $0x1B8E;
	s24 =	sld [smem:$0x3FFE];
	[sflag:s23] =	ssyncadd.s32 $0xFFFFFFFF  }
0xa6: {  	s26 =	simm.s32 $execute0_lowered;
	[smem:$0x3FD2] =	sst s25  }
0xa7: {  	s6 =	sshll.u32 s26, $0x1;
	_ =	strace $0x80000046;
	[dreg:$0x1] =	wrdreg $0xFFFFFFFF  }
0xa8: {  	s28 =	simm.s32 $_size_execute0_lowered;
	s4 =	sadd.s32 s4, s6;
	[dreg:$0x0] =	wrdreg $0x0  }
0xa9: {  	s6 =	sshll.u32 s28, $0x1;
	[dreg:$0x2] =	wrdreg s4  }
0xaa: {  	[dreg:$0x3] =	wrdreg s6  }
0xab: {  	[dreg:$0x4] =	wrdreg $0xC0  }
0xac: {  	_ =	task [dreg:s8], $0x5FFFF  }
0xad: {  	[dreg:$0x1] =	wrdreg $0xFFFFFFFF  }
0xae: {  	[dreg:$0x0] =	wrdreg $0x60  }
0xaf: {  	[dreg:$0x2] =	wrdreg s2  }
0xb0: {  	[dreg:$0x3] =	wrdreg s18  }
0xb1: {  	[dreg:$0x4] =	wrdreg s24  }
0xb2: {  	[dreg:$0x5] =	wrdreg $0x9  }
0xb3: {  	_ =	task.clear_ibuf [dreg:s8], $0x6FFFF;
	_ =	strace $0x90000046  }
0xb4: {  	s29 =	simm.s32 $0x9;
	_ =	strace $0x80000048  }
0xb5: {  	_ =	swait.ge [sflag:s29], $0x1  }
0xb6: {  	[sflag:s29] =	ssyncadd.s32 $0xFFFFFFFF  }
0xb7: {  	_ =	strace $0x90000048  }
0xb8: {  	_ =	sfence  }
0xb9: {  	s30 =	sld [smem:$0x0];
	_ =	sdelay $0x2  }
0xba: {  	s31 =	sshll.u32 s1, $0xD;
	s1 =	sshrl.u32 s1, $0x2  }
0xbb: {  	s3 =	sand.u32 $0x4000, s31;
	s1 =	sadd.s32 s1, s30  }
0xbc: {  	s0 =	sor.u32 s3, s0;
	s1 =	sshll.u32 s1, $0x11  }
0xbd: {  	s0 =	sor.u32 s1, s0  }
0xbe: {  	s0 =	sadd.s32 $0x8F2B, s0  }
0xbf: {  	[sflag:s0] =	ssyncadd.remote.s32 $0x1  }
0xc0: {  	_ =	sfence.sel $0xFFFF  }
0xc1: {  	[dreg:$0x0] =	wrdreg $0xFFFFFFFF;
	(pc) =	sbr.abs _section_cstart, $3  }
0xc2: {  	[dreg:$0x1] =	wrdreg $0xFFFFFFFF  }
0xc3: {  	_ =	task.clear_ibuf [dreg:s8], $0x2FFFF;
	_ =	strace $0x9FFFFFFF  }
0xc4: {  	(tm) =	ssettm $0x7FFFFFFF  }
0xc5: {  	_ =	shalt  }
tec
execute0_lowered:
.L_overlay_start_1:
0x0: {  	(tag) =	ssettag $0x1  }
0x1: {  	s3 =	rddreg [dreg:$0x0]  }
0x2: {  	s4 =	rddreg [dreg:$0x1];
	s1 =	srdreg.scid  }
0x3: {  	s0 =	stileid.u32;
	s5 =	rddreg [dreg:$0x2];
	s10 =	simm.s32 $0x8000  }
0x4: {  	s11 =	simm.s32 $0x2;
	s12 =	simm.s32 $0x8080;
	s13 =	simm.s32 $0x0  }
0x5: {  	s6 =	sand.u32 $0x1, s1;
	s2 =	sshll.u32 s0, $0x1;
	s1 =	rddreg [dreg:$0x3]  }
0x6: {  	s8 =	sshll.u32 s0, $0x3;
	s7 =	sor.u32 s6, s2;
	s2 =	simm.s32 $0x0  }
0x7: {  	s8 =	sand.u32 $0x60, s8;
	s6 =	ssub.s32 $0x2, s6;
	s9 =	sshll.u32 s7, $0x1  }
0x8: {  	[smem:$0x7FF] =	sst s2;
	s30 =	sshrl.u32 s6, $0x1;
	s7 =	sshll.u32 s7, $0xB  }
0x9: {  	s9 =	sand.u32 $0xE, s9;
	_ =	strace $0x80000047;
	s31 =	ssub.s32 s6, s30  }
0xa: {  	s3 =	sadd.s32 s3, s7;
	s4 =	sadd.s32 s4, s7;
	s8 =	sor.u32 s8, s9  }
0xb: {  	s7 =	smax.u32 s31, $0x1;
	s9 =	simm.s32 $0x1;
	s8 =	sadd.s32 s8, s5  }
0xc: {  	v0 =	vimm.f32 $0.0e+00;
	s5 =	sadd.s32 $0x200, s8;
	s6 =	sadd.s32 $0x210, s8;
	s8 =	simm.s32 $0x4000  }
.LBB2_1:
0xd: {  	[tilespmem:s2], [sflag:$0x1] =	stream.linear.gather [hbm4b:s3+s2], $0x4000, $0x38;
	[tilespmem:$0x8100] =	vst v63  }
0xe: {  	_ = 	snop  }
0xf: {  	[tilespmem:s8], [sflag:$0x1] =	stream.linear.gather [hbm4b:s4+s2], $0x4000, $0x38;
	[tilespmem:$0x8100] =	vst v63  }
0x10: {  	_ =	swait.ge [sflag:s9], $0x4000  }
0x11: {  	[sflag:s9] =	ssyncset.done $0x0  }
0x12: {  	s14 =	simm.s32 $0x0;
	[sflag:s9] =	ssyncadd.s32 $0xFFFFC000  }
0x13: {  	s15 =	sand.u32 $0xC00, s2;
	s16 =	sand.u32 $0x3040, s14;
	_ =	swait.ge [sflag:s9], $0x4000  }
0x14: {  	s17 =	sand.u32 $0x380, s2;
	s15 =	sor.u32 s15, s16;
	[sflag:s9] =	ssyncset.done $0x0  }
0x15: {  	s15 =	sor.u32 s17, s15;
	[sflag:s9] =	ssyncadd.s32 $0xFFFFC000  }
0x16: {  	v2 =	vld [tilespmem:s15+$0x30]  }
0x17: {  	v3 =	vld [tilespmem:s15+$0x4030]  }
0x18: {  	v14 =	vld [tilespmem:s15+$0x0]  }
0x19: {  	v10 =	vld [tilespmem:s15+$0x4000]  }
0x1a: {  	v11 =	vld [tilespmem:s15+$0x10];
	_ =	sdelay $0x1  }
0x1b: {  	v8 =	vimm.f32 $0.0e+00  }
0x1c: {  	v9 =	vimm.f32 $0.0e+00;
	v7 =	vimm.f32 $0.0e+00;
	v4 =	vmul.f32 $1.562500000e+00, v3  }
0x1d: {  	v12 =	vld [tilespmem:s15+$0x4010];
	v5 =	vmul.f32 $1.562500000e+00, v2;
	vm0 =	vgt.f32 v3, $0.0e+00;
	v6 =	vmul.f32 $1.562500000e+00, v14  }
0x1e: {  	v13 =	vld [tilespmem:s15+$0x20];
	v16 =	vmul.f32 $1.562500000e+00, v10;
	v17 =	vmul.f32 $1.562500000e+00, v11;
	v1 =	vsel vm0, $0x3F800000, v0  }
0x1f: {  	v15 =	vld [tilespmem:s15+$0x4020];
	vm0 =	vlt.f32 v2, v4;
	vm2 =	vlt.f32 v3, v5;
	vm1 =	vlt.f32 v10, v6  }
0x20: {  	v2 =	vimm.f32 $0.0e+00;
	v5 =	vimm.f32 $0.0e+00;
	v6 =	vimm.f32 $0.0e+00  }
0x21: {  	s16 =	simm.s32 $0x0;
	s15 =	simm.s32 $0x0;
	v4 =	vimm.f32 $0.0e+00;
	v3 =	vimm.f32 $0.0e+00;
	vm0 =	vmand vm2, vm0  }
.LBB2_2:
0x22: {  	s14 =	sadd.s32 $0x40, s14;
	vm2 =	vlt.f32 v14, v16;
	v14 =	vmul.f32 $1.562500000e+00, v12;
	v16 =	vsel vm0, $0x3F800000, v0;
	s15 =	sadd.s32 $0x200, s15  }
0x23: {  	s16 =	sadd.s32 $0x10, s16;
	s17 =	sand.u32 $0xC00, s15;
	s18 =	sand.u32 $0x3040, s14;
	vm0 =	vlt.f32 v12, v17;
	v17 =	vmul.f32 $1.562500000e+00, v13;
	v2 =	vadd.f32 v16, v2  }
0x24: {  	s19 =	sand.u32 $0x380, s16;
	p0 =	slt.u32 s14, $0x3FC0;
	vm1 =	vmand vm1, vm2;
	s17 =	sor.u32 s17, s18;
	vm2 =	vlt.f32 v11, v14;
	v11 =	vmul.f32 $1.562500000e+00, v15  }
0x25: {  	vm3 =	vgt.f32 v10, $0.0e+00;
	s17 =	sor.u32 s19, s17;
	vm0 =	vmand vm0, vm2;
	vm2 =	vlt.f32 v15, v17  }
0x26: {  	vm4 =	vgt.f32 v12, $0.0e+00;
	vm6 =	vgt.f32 v15, $0.0e+00;
	v17 =	vld [tilespmem:s17+$0x30];
	vm5 =	vlt.f32 v13, v11  }
0x27: {  	v11 =	vsel vm1, $0x3F800000, v0;
	v12 =	vsel vm0, $0x3F800000, v0;
	v18 =	vld [tilespmem:s17+$0x4030];
	vm0 =	vmand vm2, vm5  }
0x28: {  	v15 =	vsel vm4, $0x3F800000, v0;
	v13 =	vsel vm3, $0x3F800000, v0;
	v14 =	vld [tilespmem:s17+$0x0];
	v16 =	vsel vm0, $0x3F800000, v0  }
0x29: {  	v19 =	vsel vm6, $0x3F800000, v0;
	v5 =	vadd.f32 v11, v5;
	v8 =	vadd.f32 v12, v8;
	v10 =	vld [tilespmem:s17+$0x4000]  }
0x2a: {  	v6 =	vadd.f32 v13, v6;
	v4 =	vadd.f32 v16, v4;
	v11 =	vld [tilespmem:s17+$0x10]  }
.Ltmp0:
0x2b: {  	v9 =	vadd.f32 v15, v9;
	v7 =	vadd.f32 v19, v7;
	v12 =	vld [tilespmem:s17+$0x4010];
	(pc) =	sbr.rel @p0 .LBB2_2-.Ltmp0, $4  }
0x2c: {  	v20 =	vmul.f32 $1.562500000e+00, v17;
	v13 =	vld [tilespmem:s17+$0x20];
	v19 =	vmul.f32 $1.562500000e+00, v18;
	vm0 =	vgt.f32 v18, $0.0e+00  }
0x2d: {  	v3 =	vadd.f32 v1, v3;
	v21 =	vmul.f32 $1.562500000e+00, v14;
	v15 =	vld [tilespmem:s17+$0x4020];
	v1 =	vsel vm0, $0x3F800000, v0  }
0x2e: {  	vm2 =	vlt.f32 v18, v20;
	v16 =	vmul.f32 $1.562500000e+00, v10;
	vm0 =	vlt.f32 v17, v19  }
0x2f: {  	vm1 =	vlt.f32 v10, v21;
	v17 =	vmul.f32 $1.562500000e+00, v11;
	vm0 =	vmand vm2, vm0  }
0x30: {  	vm2 =	vlt.f32 v14, v16;
	v54 =	vmul.f32 $1.562500000e+00, v12  }
0x31: {  	vm4 =	vgt.f32 v10, $0.0e+00;
	vm5 =	vgt.f32 v12, $0.0e+00;
	vm3 =	vlt.f32 v12, v17  }
0x32: {  	v55 =	vmul.f32 $1.562500000e+00, v13;
	vm1 =	vmand vm1, vm2;
	v59 =	vsel vm4, $0x3F800000, v0  }
0x33: {  	v60 =	vsel vm5, $0x3F800000, v0;
	vm12 =	vlt.f32 v11, v54;
	v56 =	vmul.f32 $1.562500000e+00, v15  }
0x34: {  	v57 =	vsel vm1, $0x3F800000, v0;
	vm14 =	vgt.f32 v15, $0.0e+00;
	v6 =	vadd.f32 v59, v6  }
0x35: {  	v9 =	vadd.f32 v60, v9;
	vm2 =	vmand vm3, vm12;
	vm13 =	vlt.f32 v15, v55  }
0x36: {  	v5 =	vadd.f32 v57, v5;
	vm6 =	vlt.f32 v13, v56;
	v58 =	vsel vm2, $0x3F800000, v0  }
0x37: {  	v62 =	vsel vm14, $0x3F800000, v0;
	vm15 =	vmand vm13, vm6;
	v8 =	vadd.f32 v58, v8  }
0x38: {  	v7 =	vadd.f32 v62, v7;
	v6 =	vadd.f32 v9, v6;
	v61 =	vsel vm15, $0x3F800000, v0  }
0x39: {  	v4 =	vadd.f32 v61, v4;
	v5 =	vadd.f32 v8, v5  }
0x3a: {  	v63 =	vsel vm0, $0x3F800000, v0;
	v1 =	vadd.f32 v1, v3;
	v3 =	vadd.f32 v7, v6  }
0x3b: {  	v2 =	vadd.f32 v63, v2;
	v4 =	vadd.f32 v4, v5  }
0x3c: {  	v1 =	vadd.f32 v1, v3  }
0x3d: {  	v2 =	vadd.f32 v2, v4  }
0x3e: {  	[tilespmem:$0x8080] =	vst v1  }
0x3f: {  	[tilespmem:$0x8000] =	vst v2  }
0x40: {  	[hbm4b:s5+s2] =	stream.linear.scatter [tilespmem:s10], [sflag:$0x2], $0x10, $0x38;
	[tilespmem:$0x8100] =	vst v63  }
0x41: {  	s13 =	sadd.s32 $0x1, s13;
	_ =	swait.ge [sflag:s11], $0x10  }
0x42: {  	p0 =	sne.s32 s13, s7;
	[sflag:s11] =	ssyncset.done $0x0  }
.Ltmp1:
0x43: {  	[sflag:s11] =	ssyncadd.s32 $0xFFFFFFF0;
	(pc) =	sbr.rel @p0 .LBB2_1-.Ltmp1, $4  }
0x44: {  	[hbm4b:s6+s2] =	stream.linear.scatter [tilespmem:s12], [sflag:$0x2], $0x10, $0x38;
	[tilespmem:$0x8100] =	vst v63  }
0x45: {  	_ =	swait.ge [sflag:s11], $0x10  }
0x46: {  	[sflag:s11] =	ssyncset.done $0x0  }
0x47: {  	[sflag:s11] =	ssyncadd.s32 $0xFFFFFFF0  }
0x48: {  	_ =	sfence.sel $0x180000  }
0x49: {  	[bflag:$0x0] =	sbarrier.arrive $0xFFFF  }
0x4a: {  	p0 =	sne.s32 s0, $0x0;
	_ =	strace $0x90000047  }
0x4b: {  	s0 =	sadd.s32 @!p0 $0x100000, s1;
	[bflag:$0x2] =	sbarrier.arrive $0xFFFF  }
0x4c: {  	[sflag:s0] =	ssyncadd.tile.s32 @!p0 $0x1;
	_ =	shalt  }
.Lfunc_end2:
_tile_overlayer_lowered:
.L_overlay_start_2:
0x4d: {  	(tag) =	ssettag $0x2  }
0x4e: {  	s0 =	rddreg [dreg:$0x0];
	s2 =	stileid.u32  }
0x4f: {  	s1 =	rddreg [dreg:$0x1];
	p0 =	sne.s32 s2, $0x0  }
0x50: {  	s3 =	rddreg [dreg:$0x2];
	[bflag:$0x3] =	sbarrier.arrive $0xFFFF;
	s2 =	simm.s32 @!p0 $0x1C02  }
0x51: {  	[timem:s3], [sflag:s2] =	dma.local @!p0 [hbm:s0], s1  }
0x52: {  	s0 =	simm.s32 @!p0 $0x2  }
0x53: {  	_ =	swait.ge @!p0 [sflag:s0], s1  }
0x54: {  	s1 =	ssub.s32 @!p0 $0x0, s1;
	[sflag:s0] =	ssyncset.done @!p0 $0x0  }
0x55: {  	[sflag:s0] =	ssyncadd.s32 @!p0 s1  }
0x56: {  	[bflag:$0x3] =	sbarrier.arrive $0xFFFF  }
0x57: {  	_ =	shalt  }

</sc_bundles>
